<compile_context>
chip_gen: v7x
topology: tpu7x:2x2x1
jax: 0.10.2.dev20260603
libtpu: 0.0.44.dev20260713+nightly
codegen_flags: <defaults>
</compile_context>

<pallas_src>
import functools

import jax
import jax.numpy as jnp
from jax import lax
from jax.experimental import pallas as pl
from jax.experimental.pallas import tpu as pltpu
from jax.experimental.pallas import tpu_sc as plsc

_BATCH = 4
_SEQ = 8192
_D = 1024
_ROWS = _BATCH * _SEQ
_C = 32
_TOTAL_CHUNKS = _ROWS // _C
_NBUF = 2


@functools.partial(jax.jit, static_argnums=(2, 3))
def _sc_gather(ids2d, table, nc, ns):
    nw = nc * ns
    ch_w = _TOTAL_CHUNKS // nw
    assert ch_w % _NBUF == 0 and ch_w >= 2 * _NBUF

    mesh = plsc.VectorSubcoreMesh(core_axis_name="c", subcore_axis_name="s")

    @functools.partial(
        pl.kernel,
        mesh=mesh,
        out_type=jax.ShapeDtypeStruct((_ROWS, _D), jnp.float32),
        scratch_types=[
            pltpu.VMEM((ch_w, _C), jnp.int32),
            pltpu.VMEM((_NBUF, _C, _D), jnp.float32),
            pltpu.SemaphoreType.DMA,
            pltpu.SemaphoreType.DMA,
            pltpu.SemaphoreType.DMA,
            pltpu.SemaphoreType.DMA,
        ],
    )
    def k(ids_hbm, table_hbm, out_hbm, idx_v, bufs, g0, g1, s0, s1):
        gsem = (g0, g1)
        ssem = (s0, s1)
        wid = lax.axis_index("s") * nc + lax.axis_index("c")
        base_chunk = wid * ch_w
        pltpu.sync_copy(ids_hbm.at[pl.ds(base_chunk, ch_w)], idx_v)

        def gather(c, b):
            return pltpu.make_async_copy(
                table_hbm.at[idx_v.at[c]], bufs.at[b], gsem[b])

        def scatter(c, b):
            return pltpu.make_async_copy(
                bufs.at[b], out_hbm.at[pl.ds((base_chunk + c) * _C, _C)],
                ssem[b])

        for b in range(_NBUF):
            gather(b, b).start()

        def pair_body(g, carry):
            for b in range(_NBUF):
                c = g * _NBUF + b
                gather(c, b).wait()
                scatter(c, b).start()
                scatter(c, b).wait()
                gather(c + _NBUF, b).start()
            return carry

        lax.fori_loop(0, ch_w // _NBUF - 1, pair_body, 0)

        for b in range(_NBUF):
            c = ch_w - _NBUF + b
            gather(c, b).wait()
            scatter(c, b).start()
            scatter(c, b).wait()

    return k(ids2d, table)


def kernel(position_ids, table):
    info = plsc.get_sparse_core_info()
    ids2d = position_ids.reshape(_TOTAL_CHUNKS, _C)
    out = _sc_gather(ids2d, table, int(info.num_cores), int(info.num_subcores))
    return out.reshape(_BATCH, _SEQ, _D)

# --- scband reference (transcript-rebuilt; emitter-appended) ---
"""Pipeline reference for scband-sinusoidal-position-encoding-4501125726703 (READ-ONLY COPY).

The authoritative reference and input builder live on the scoring server;
editing this copy changes nothing except your own understanding.
"""

import jax, jax.numpy as jnp
import numpy as np

MAX_POSITION = 8192
EMBED_DIM = 1024
BATCH = 4
SEQ_LEN = 8192


def _sinusoid_table(n_position, d_hid):
    pos = np.arange(n_position, dtype=np.float64)[:, None]
    i = np.arange(d_hid, dtype=np.float64)[None, :]
    angle = pos / np.power(10000.0, 2.0 * (i // 2) / d_hid)
    table = np.zeros((n_position, d_hid), dtype=np.float32)
    table[:, 0::2] = np.sin(angle[:, 0::2]).astype(np.float32)
    table[:, 1::2] = np.cos(angle[:, 1::2]).astype(np.float32)
    return jnp.asarray(table)


def setup_inputs(seed: int = 0) -> dict:
    key = jax.random.key(seed)
    position_ids = jax.random.randint(key, (BATCH, SEQ_LEN), 0, MAX_POSITION, dtype=jnp.int32)
    table = _sinusoid_table(MAX_POSITION, EMBED_DIM)
    return {"position_ids": position_ids, "table": table}


def reference(position_ids, table):
    # Embedding lookup: gather rows of the (frozen) sinusoidal table
    return jnp.take(table, position_ids, axis=0)

if __name__ == "__main__":
    import jax
    _d = setup_inputs()
    print(jax.jit(kernel)(*tuple(_d.values())))

</pallas_src>

<mosaic_0001>
#map = affine_map<(d0, d1) -> (0, 0)>
module attributes {stable_mosaic.version = 14 : i64} {
  func.func @k(%arg0: i32, %arg1: i32, %arg2: memref<1024x32xi32, #tpu.memory_space<hbm>>, %arg3: memref<8192x1024xf32, #tpu.memory_space<hbm>>, %arg4: memref<32768x1024xf32, #tpu.memory_space<hbm>>, %arg5: memref<32x32xi32, #tpu.memory_space<vmem>>, %arg6: memref<2x32x1024xf32, #tpu.memory_space<vmem>>, %arg7: memref<!tpu.dma_semaphore, #tpu.memory_space<semaphore_mem>>, %arg8: memref<!tpu.dma_semaphore, #tpu.memory_space<semaphore_mem>>, %arg9: memref<!tpu.dma_semaphore, #tpu.memory_space<semaphore_mem>>, %arg10: memref<!tpu.dma_semaphore, #tpu.memory_space<semaphore_mem>>) attributes {dimension_semantics = [#tpu.dimension_semantics<core_parallel>, #tpu.dimension_semantics<subcore_parallel>], iteration_bounds = array<i64: 2, 16>, scalar_prefetch = 0 : i64, scratch_operands = 6 : i64, tpu.core_type = #tpu.core_type<sc_vector_subcore>, window_params = [{transform_indices = #map}, {transform_indices = #map}, {transform_indices = #map}]} {
    %mul3A = arith.constant 2 : i32
    %mul3A_0 = arith.muli %arg1, %mul3A : i32
    %add3A = arith.addi %mul3A_0, %arg0 : i32
    %mul3A_1 = arith.constant 32 : i32
    %mul3A_2 = arith.muli %add3A, %mul3A_1 : i32
    "tpu.region"() ({
      %run_scoped3A = tpu.sem_alloc : memref<!tpu.dma_semaphore, #tpu.memory_space<semaphore_mem>>
      %dma_start3A_122 = arith.constant 0 : i32
      %dma_start3A_123 = tpu.memref_slice %arg2[%mul3A_2, %dma_start3A_122] : memref<1024x32xi32, #tpu.memory_space<hbm>> -> memref<32x32xi32, #tpu.memory_space<hbm>>
      %dma_start3A_124 = arith.constant 0 : i32
      %dma_start3A_125 = tpu.memref_slice %arg2[%mul3A_2, %dma_start3A_124] : memref<1024x32xi32, #tpu.memory_space<hbm>> -> memref<32x32xi32, #tpu.memory_space<hbm>>
      tpu.enqueue_dma source(%dma_start3A_125 : memref<32x32xi32, #tpu.memory_space<hbm>>) target(%arg5 : memref<32x32xi32, #tpu.memory_space<vmem>>) target_semaphore(%run_scoped3A : memref<!tpu.dma_semaphore, #tpu.memory_space<semaphore_mem>>)
      %dma_wait3A_126 = arith.constant 0 : i32
      %dma_wait3A_127 = tpu.memref_slice %arg2[%mul3A_2, %dma_wait3A_126] : memref<1024x32xi32, #tpu.memory_space<hbm>> -> memref<32x32xi32, #tpu.memory_space<hbm>>
      %dma_wait3A_128 = arith.constant 0 : i32
      %dma_wait3A_129 = tpu.memref_slice %arg2[%mul3A_2, %dma_wait3A_128] : memref<1024x32xi32, #tpu.memory_space<hbm>> -> memref<32x32xi32, #tpu.memory_space<hbm>>
      tpu.wait_dma2 semaphore(%run_scoped3A : memref<!tpu.dma_semaphore, #tpu.memory_space<semaphore_mem>>) src(%dma_wait3A_129 : memref<32x32xi32, #tpu.memory_space<hbm>>) dst(%arg5 : memref<32x32xi32, #tpu.memory_space<vmem>>)
      tpu.yield
    }) : () -> ()
    %dma_start3A = arith.constant 0 : i32
    %dma_start3A_3 = arith.constant 0 : i32
    %dma_start3A_4 = arith.constant 0 : i32
    %dma_start3A_5 = arith.constant 0 : i32
    %dma_start3A_6 = tpu.memref_slice %arg6[%dma_start3A_3, %dma_start3A_4, %dma_start3A_5] : memref<2x32x1024xf32, #tpu.memory_space<vmem>> -> memref<1x32x1024xf32, #tpu.memory_space<vmem>>
    %dma_start3A_7 = tpu.memref_squeeze %dma_start3A_6 : memref<1x32x1024xf32, #tpu.memory_space<vmem>> -> memref<32x1024xf32, #tpu.memory_space<vmem>>
    %dma_start3A_8 = arith.constant 0 : i32
    %dma_start3A_9 = tpu.memref_slice %arg5[%dma_start3A, %dma_start3A_8] : memref<32x32xi32, #tpu.memory_space<vmem>> -> memref<1x32xi32, #tpu.memory_space<vmem>>
    %dma_start3A_10 = tpu.memref_squeeze %dma_start3A_9 : memref<1x32xi32, #tpu.memory_space<vmem>> -> memref<32xi32, #tpu.memory_space<vmem>>
    %dma_start3A_11 = arith.constant 0 : i32
    %dma_start3A_12 = arith.constant 0 : i32
    %dma_start3A_13 = tpu.memref_slice %arg3[%dma_start3A_11, %dma_start3A_12] : memref<8192x1024xf32, #tpu.memory_space<hbm>> -> memref<8192x1024xf32, #tpu.memory_space<hbm>>
    tpu.enqueue_indirect_dma source(%dma_start3A_13 : memref<8192x1024xf32, #tpu.memory_space<hbm>>) target(%dma_start3A_7 : memref<32x1024xf32, #tpu.memory_space<vmem>>) offsets(%dma_start3A_10 : memref<32xi32, #tpu.memory_space<vmem>>) semaphore(%arg7 : memref<!tpu.dma_semaphore, #tpu.memory_space<semaphore_mem>>)
    %dma_start3A_14 = arith.constant 1 : i32
    %dma_start3A_15 = arith.constant 1 : i32
    %dma_start3A_16 = arith.constant 0 : i32
    %dma_start3A_17 = arith.constant 0 : i32
    %dma_start3A_18 = tpu.memref_slice %arg6[%dma_start3A_15, %dma_start3A_16, %dma_start3A_17] : memref<2x32x1024xf32, #tpu.memory_space<vmem>> -> memref<1x32x1024xf32, #tpu.memory_space<vmem>>
    %dma_start3A_19 = tpu.memref_squeeze %dma_start3A_18 : memref<1x32x1024xf32, #tpu.memory_space<vmem>> -> memref<32x1024xf32, #tpu.memory_space<vmem>>
    %dma_start3A_20 = arith.constant 0 : i32
    %dma_start3A_21 = tpu.memref_slice %arg5[%dma_start3A_14, %dma_start3A_20] : memref<32x32xi32, #tpu.memory_space<vmem>> -> memref<1x32xi32, #tpu.memory_space<vmem>>
    %dma_start3A_22 = tpu.memref_squeeze %dma_start3A_21 : memref<1x32xi32, #tpu.memory_space<vmem>> -> memref<32xi32, #tpu.memory_space<vmem>>
    %dma_start3A_23 = arith.constant 0 : i32
    %dma_start3A_24 = arith.constant 0 : i32
    %dma_start3A_25 = tpu.memref_slice %arg3[%dma_start3A_23, %dma_start3A_24] : memref<8192x1024xf32, #tpu.memory_space<hbm>> -> memref<8192x1024xf32, #tpu.memory_space<hbm>>
    tpu.enqueue_indirect_dma source(%dma_start3A_25 : memref<8192x1024xf32, #tpu.memory_space<hbm>>) target(%dma_start3A_19 : memref<32x1024xf32, #tpu.memory_space<vmem>>) offsets(%dma_start3A_22 : memref<32xi32, #tpu.memory_space<vmem>>) semaphore(%arg8 : memref<!tpu.dma_semaphore, #tpu.memory_space<semaphore_mem>>)
    %scan3A = arith.constant 0 : i32
    %scan3A_26 = arith.constant 0 : i32
    %scan3A_27 = arith.constant 15 : i32
    %scan3A_28 = arith.addi %scan3A_26, %scan3A_27 : i32
    %scan3A_29 = arith.constant 1 : i32
    scf.for %scan3A_122 = %scan3A_26 to %scan3A_28 step %scan3A_29  : i32 {
      %mul3A_123 = arith.constant 2 : i32
      %mul3A_124 = arith.muli %scan3A_122, %mul3A_123 : i32
      %add3A_125 = arith.constant 0 : i32
      %add3A_126 = arith.addi %mul3A_124, %add3A_125 : i32
      %dma_wait3A_127 = arith.constant 0 : i32
      %dma_wait3A_128 = arith.constant 0 : i32
      %dma_wait3A_129 = arith.constant 0 : i32
      %dma_wait3A_130 = tpu.memref_slice %arg6[%dma_wait3A_127, %dma_wait3A_128, %dma_wait3A_129] : memref<2x32x1024xf32, #tpu.memory_space<vmem>> -> memref<1x32x1024xf32, #tpu.memory_space<vmem>>
      %dma_wait3A_131 = tpu.memref_squeeze %dma_wait3A_130 : memref<1x32x1024xf32, #tpu.memory_space<vmem>> -> memref<32x1024xf32, #tpu.memory_space<vmem>>
      %dma_wait3A_132 = arith.constant 0 : i32
      %dma_wait3A_133 = tpu.memref_slice %arg5[%add3A_126, %dma_wait3A_132] : memref<32x32xi32, #tpu.memory_space<vmem>> -> memref<1x32xi32, #tpu.memory_space<vmem>>
      %dma_wait3A_134 = tpu.memref_squeeze %dma_wait3A_133 : memref<1x32xi32, #tpu.memory_space<vmem>> -> memref<32xi32, #tpu.memory_space<vmem>>
      %dma_wait3A_135 = arith.constant 0 : i32
      %dma_wait3A_136 = arith.constant 0 : i32
      %dma_wait3A_137 = tpu.memref_slice %arg3[%dma_wait3A_135, %dma_wait3A_136] : memref<8192x1024xf32, #tpu.memory_space<hbm>> -> memref<8192x1024xf32, #tpu.memory_space<hbm>>
      tpu.wait_indirect_dma semaphore(%arg7 : memref<!tpu.dma_semaphore, #tpu.memory_space<semaphore_mem>>) src(%dma_wait3A_137 : memref<8192x1024xf32, #tpu.memory_space<hbm>>) dst(%dma_wait3A_131 : memref<32x1024xf32, #tpu.memory_space<vmem>>)
      %add3A_138 = arith.addi %mul3A_2, %add3A_126 : i32
      %mul3A_139 = arith.constant 32 : i32
      %mul3A_140 = arith.muli %add3A_138, %mul3A_139 : i32
      %dma_start3A_141 = arith.constant 0 : i32
      %dma_start3A_142 = arith.constant 0 : i32
      %dma_start3A_143 = arith.constant 0 : i32
      %dma_start3A_144 = tpu.memref_slice %arg6[%dma_start3A_141, %dma_start3A_142, %dma_start3A_143] : memref<2x32x1024xf32, #tpu.memory_space<vmem>> -> memref<1x32x1024xf32, #tpu.memory_space<vmem>>
      %dma_start3A_145 = tpu.memref_squeeze %dma_start3A_144 : memref<1x32x1024xf32, #tpu.memory_space<vmem>> -> memref<32x1024xf32, #tpu.memory_space<vmem>>
      %dma_start3A_146 = arith.constant 0 : i32
      %dma_start3A_147 = tpu.memref_slice %arg4[%mul3A_140, %dma_start3A_146] : memref<32768x1024xf32, #tpu.memory_space<hbm>> -> memref<32x1024xf32, #tpu.memory_space<hbm>>
      %dma_start3A_148 = arith.constant 0 : i32
      %dma_start3A_149 = tpu.memref_slice %arg4[%mul3A_140, %dma_start3A_148] : memref<32768x1024xf32, #tpu.memory_space<hbm>> -> memref<32x1024xf32, #tpu.memory_space<hbm>>
      %dma_start3A_150 = arith.constant 0 : i32
      %dma_start3A_151 = arith.constant 0 : i32
      %dma_start3A_152 = tpu.memref_slice %arg6[%dma_start3A_141, %dma_start3A_150, %dma_start3A_151] : memref<2x32x1024xf32, #tpu.memory_space<vmem>> -> memref<1x32x1024xf32, #tpu.memory_space<vmem>>
      %dma_start3A_153 = tpu.memref_squeeze %dma_start3A_152 : memref<1x32x1024xf32, #tpu.memory_space<vmem>> -> memref<32x1024xf32, #tpu.memory_space<vmem>>
      tpu.enqueue_dma source(%dma_start3A_153 : memref<32x1024xf32, #tpu.memory_space<vmem>>) target(%dma_start3A_149 : memref<32x1024xf32, #tpu.memory_space<hbm>>) target_semaphore(%arg9 : memref<!tpu.dma_semaphore, #tpu.memory_space<semaphore_mem>>)
      %add3A_154 = arith.addi %mul3A_2, %add3A_126 : i32
      %mul3A_155 = arith.constant 32 : i32
      %mul3A_156 = arith.muli %add3A_154, %mul3A_155 : i32
      %dma_wait3A_157 = arith.constant 0 : i32
      %dma_wait3A_158 = arith.constant 0 : i32
      %dma_wait3A_159 = arith.constant 0 : i32
      %dma_wait3A_160 = tpu.memref_slice %arg6[%dma_wait3A_157, %dma_wait3A_158, %dma_wait3A_159] : memref<2x32x1024xf32, #tpu.memory_space<vmem>> -> memref<1x32x1024xf32, #tpu.memory_space<vmem>>
      %dma_wait3A_161 = tpu.memref_squeeze %dma_wait3A_160 : memref<1x32x1024xf32, #tpu.memory_space<vmem>> -> memref<32x1024xf32, #tpu.memory_space<vmem>>
      %dma_wait3A_162 = arith.constant 0 : i32
      %dma_wait3A_163 = tpu.memref_slice %arg4[%mul3A_156, %dma_wait3A_162] : memref<32768x1024xf32, #tpu.memory_space<hbm>> -> memref<32x1024xf32, #tpu.memory_space<hbm>>
      %dma_wait3A_164 = arith.constant 0 : i32
      %dma_wait3A_165 = tpu.memref_slice %arg4[%mul3A_156, %dma_wait3A_164] : memref<32768x1024xf32, #tpu.memory_space<hbm>> -> memref<32x1024xf32, #tpu.memory_space<hbm>>
      %dma_wait3A_166 = arith.constant 0 : i32
      %dma_wait3A_167 = arith.constant 0 : i32
      %dma_wait3A_168 = tpu.memref_slice %arg6[%dma_wait3A_157, %dma_wait3A_166, %dma_wait3A_167] : memref<2x32x1024xf32, #tpu.memory_space<vmem>> -> memref<1x32x1024xf32, #tpu.memory_space<vmem>>
      %dma_wait3A_169 = tpu.memref_squeeze %dma_wait3A_168 : memref<1x32x1024xf32, #tpu.memory_space<vmem>> -> memref<32x1024xf32, #tpu.memory_space<vmem>>
      tpu.wait_dma2 semaphore(%arg9 : memref<!tpu.dma_semaphore, #tpu.memory_space<semaphore_mem>>) src(%dma_wait3A_169 : memref<32x1024xf32, #tpu.memory_space<vmem>>) dst(%dma_wait3A_165 : memref<32x1024xf32, #tpu.memory_space<hbm>>)
      %add3A_170 = arith.constant 2 : i32
      %add3A_171 = arith.addi %add3A_126, %add3A_170 : i32
      %dma_start3A_172 = arith.constant 0 : i32
      %dma_start3A_173 = arith.constant 0 : i32
      %dma_start3A_174 = arith.constant 0 : i32
      %dma_start3A_175 = tpu.memref_slice %arg6[%dma_start3A_172, %dma_start3A_173, %dma_start3A_174] : memref<2x32x1024xf32, #tpu.memory_space<vmem>> -> memref<1x32x1024xf32, #tpu.memory_space<vmem>>
      %dma_start3A_176 = tpu.memref_squeeze %dma_start3A_175 : memref<1x32x1024xf32, #tpu.memory_space<vmem>> -> memref<32x1024xf32, #tpu.memory_space<vmem>>
      %dma_start3A_177 = arith.constant 0 : i32
      %dma_start3A_178 = tpu.memref_slice %arg5[%add3A_171, %dma_start3A_177] : memref<32x32xi32, #tpu.memory_space<vmem>> -> memref<1x32xi32, #tpu.memory_space<vmem>>
      %dma_start3A_179 = tpu.memref_squeeze %dma_start3A_178 : memref<1x32xi32, #tpu.memory_space<vmem>> -> memref<32xi32, #tpu.memory_space<vmem>>
      %dma_start3A_180 = arith.constant 0 : i32
      %dma_start3A_181 = arith.constant 0 : i32
      %dma_start3A_182 = tpu.memref_slice %arg3[%dma_start3A_180, %dma_start3A_181] : memref<8192x1024xf32, #tpu.memory_space<hbm>> -> memref<8192x1024xf32, #tpu.memory_space<hbm>>
      tpu.enqueue_indirect_dma source(%dma_start3A_182 : memref<8192x1024xf32, #tpu.memory_space<hbm>>) target(%dma_start3A_176 : memref<32x1024xf32, #tpu.memory_space<vmem>>) offsets(%dma_start3A_179 : memref<32xi32, #tpu.memory_space<vmem>>) semaphore(%arg7 : memref<!tpu.dma_semaphore, #tpu.memory_space<semaphore_mem>>)
      %mul3A_183 = arith.constant 2 : i32
      %mul3A_184 = arith.muli %scan3A_122, %mul3A_183 : i32
      %add3A_185 = arith.constant 1 : i32
      %add3A_186 = arith.addi %mul3A_184, %add3A_185 : i32
      %dma_wait3A_187 = arith.constant 1 : i32
      %dma_wait3A_188 = arith.constant 0 : i32
      %dma_wait3A_189 = arith.constant 0 : i32
      %dma_wait3A_190 = tpu.memref_slice %arg6[%dma_wait3A_187, %dma_wait3A_188, %dma_wait3A_189] : memref<2x32x1024xf32, #tpu.memory_space<vmem>> -> memref<1x32x1024xf32, #tpu.memory_space<vmem>>
      %dma_wait3A_191 = tpu.memref_squeeze %dma_wait3A_190 : memref<1x32x1024xf32, #tpu.memory_space<vmem>> -> memref<32x1024xf32, #tpu.memory_space<vmem>>
      %dma_wait3A_192 = arith.constant 0 : i32
      %dma_wait3A_193 = tpu.memref_slice %arg5[%add3A_186, %dma_wait3A_192] : memref<32x32xi32, #tpu.memory_space<vmem>> -> memref<1x32xi32, #tpu.memory_space<vmem>>
      %dma_wait3A_194 = tpu.memref_squeeze %dma_wait3A_193 : memref<1x32xi32, #tpu.memory_space<vmem>> -> memref<32xi32, #tpu.memory_space<vmem>>
      %dma_wait3A_195 = arith.constant 0 : i32
      %dma_wait3A_196 = arith.constant 0 : i32
      %dma_wait3A_197 = tpu.memref_slice %arg3[%dma_wait3A_195, %dma_wait3A_196] : memref<8192x1024xf32, #tpu.memory_space<hbm>> -> memref<8192x1024xf32, #tpu.memory_space<hbm>>
      tpu.wait_indirect_dma semaphore(%arg8 : memref<!tpu.dma_semaphore, #tpu.memory_space<semaphore_mem>>) src(%dma_wait3A_197 : memref<8192x1024xf32, #tpu.memory_space<hbm>>) dst(%dma_wait3A_191 : memref<32x1024xf32, #tpu.memory_space<vmem>>)
      %add3A_198 = arith.addi %mul3A_2, %add3A_186 : i32
      %mul3A_199 = arith.constant 32 : i32
      %mul3A_200 = arith.muli %add3A_198, %mul3A_199 : i32
      %dma_start3A_201 = arith.constant 1 : i32
      %dma_start3A_202 = arith.constant 0 : i32
      %dma_start3A_203 = arith.constant 0 : i32
      %dma_start3A_204 = tpu.memref_slice %arg6[%dma_start3A_201, %dma_start3A_202, %dma_start3A_203] : memref<2x32x1024xf32, #tpu.memory_space<vmem>> -> memref<1x32x1024xf32, #tpu.memory_space<vmem>>
      %dma_start3A_205 = tpu.memref_squeeze %dma_start3A_204 : memref<1x32x1024xf32, #tpu.memory_space<vmem>> -> memref<32x1024xf32, #tpu.memory_space<vmem>>
      %dma_start3A_206 = arith.constant 0 : i32
      %dma_start3A_207 = tpu.memref_slice %arg4[%mul3A_200, %dma_start3A_206] : memref<32768x1024xf32, #tpu.memory_space<hbm>> -> memref<32x1024xf32, #tpu.memory_space<hbm>>
      %dma_start3A_208 = arith.constant 0 : i32
      %dma_start3A_209 = tpu.memref_slice %arg4[%mul3A_200, %dma_start3A_208] : memref<32768x1024xf32, #tpu.memory_space<hbm>> -> memref<32x1024xf32, #tpu.memory_space<hbm>>
      %dma_start3A_210 = arith.constant 0 : i32
      %dma_start3A_211 = arith.constant 0 : i32
      %dma_start3A_212 = tpu.memref_slice %arg6[%dma_start3A_201, %dma_start3A_210, %dma_start3A_211] : memref<2x32x1024xf32, #tpu.memory_space<vmem>> -> memref<1x32x1024xf32, #tpu.memory_space<vmem>>
      %dma_start3A_213 = tpu.memref_squeeze %dma_start3A_212 : memref<1x32x1024xf32, #tpu.memory_space<vmem>> -> memref<32x1024xf32, #tpu.memory_space<vmem>>
      tpu.enqueue_dma source(%dma_start3A_213 : memref<32x1024xf32, #tpu.memory_space<vmem>>) target(%dma_start3A_209 : memref<32x1024xf32, #tpu.memory_space<hbm>>) target_semaphore(%arg10 : memref<!tpu.dma_semaphore, #tpu.memory_space<semaphore_mem>>)
      %add3A_214 = arith.addi %mul3A_2, %add3A_186 : i32
      %mul3A_215 = arith.constant 32 : i32
      %mul3A_216 = arith.muli %add3A_214, %mul3A_215 : i32
      %dma_wait3A_217 = arith.constant 1 : i32
      %dma_wait3A_218 = arith.constant 0 : i32
      %dma_wait3A_219 = arith.constant 0 : i32
      %dma_wait3A_220 = tpu.memref_slice %arg6[%dma_wait3A_217, %dma_wait3A_218, %dma_wait3A_219] : memref<2x32x1024xf32, #tpu.memory_space<vmem>> -> memref<1x32x1024xf32, #tpu.memory_space<vmem>>
      %dma_wait3A_221 = tpu.memref_squeeze %dma_wait3A_220 : memref<1x32x1024xf32, #tpu.memory_space<vmem>> -> memref<32x1024xf32, #tpu.memory_space<vmem>>
      %dma_wait3A_222 = arith.constant 0 : i32
      %dma_wait3A_223 = tpu.memref_slice %arg4[%mul3A_216, %dma_wait3A_222] : memref<32768x1024xf32, #tpu.memory_space<hbm>> -> memref<32x1024xf32, #tpu.memory_space<hbm>>
      %dma_wait3A_224 = arith.constant 0 : i32
      %dma_wait3A_225 = tpu.memref_slice %arg4[%mul3A_216, %dma_wait3A_224] : memref<32768x1024xf32, #tpu.memory_space<hbm>> -> memref<32x1024xf32, #tpu.memory_space<hbm>>
      %dma_wait3A_226 = arith.constant 0 : i32
      %dma_wait3A_227 = arith.constant 0 : i32
      %dma_wait3A_228 = tpu.memref_slice %arg6[%dma_wait3A_217, %dma_wait3A_226, %dma_wait3A_227] : memref<2x32x1024xf32, #tpu.memory_space<vmem>> -> memref<1x32x1024xf32, #tpu.memory_space<vmem>>
      %dma_wait3A_229 = tpu.memref_squeeze %dma_wait3A_228 : memref<1x32x1024xf32, #tpu.memory_space<vmem>> -> memref<32x1024xf32, #tpu.memory_space<vmem>>
      tpu.wait_dma2 semaphore(%arg10 : memref<!tpu.dma_semaphore, #tpu.memory_space<semaphore_mem>>) src(%dma_wait3A_229 : memref<32x1024xf32, #tpu.memory_space<vmem>>) dst(%dma_wait3A_225 : memref<32x1024xf32, #tpu.memory_space<hbm>>)
      %add3A_230 = arith.constant 2 : i32
      %add3A_231 = arith.addi %add3A_186, %add3A_230 : i32
      %dma_start3A_232 = arith.constant 1 : i32
      %dma_start3A_233 = arith.constant 0 : i32
      %dma_start3A_234 = arith.constant 0 : i32
      %dma_start3A_235 = tpu.memref_slice %arg6[%dma_start3A_232, %dma_start3A_233, %dma_start3A_234] : memref<2x32x1024xf32, #tpu.memory_space<vmem>> -> memref<1x32x1024xf32, #tpu.memory_space<vmem>>
      %dma_start3A_236 = tpu.memref_squeeze %dma_start3A_235 : memref<1x32x1024xf32, #tpu.memory_space<vmem>> -> memref<32x1024xf32, #tpu.memory_space<vmem>>
      %dma_start3A_237 = arith.constant 0 : i32
      %dma_start3A_238 = tpu.memref_slice %arg5[%add3A_231, %dma_start3A_237] : memref<32x32xi32, #tpu.memory_space<vmem>> -> memref<1x32xi32, #tpu.memory_space<vmem>>
      %dma_start3A_239 = tpu.memref_squeeze %dma_start3A_238 : memref<1x32xi32, #tpu.memory_space<vmem>> -> memref<32xi32, #tpu.memory_space<vmem>>
      %dma_start3A_240 = arith.constant 0 : i32
      %dma_start3A_241 = arith.constant 0 : i32
      %dma_start3A_242 = tpu.memref_slice %arg3[%dma_start3A_240, %dma_start3A_241] : memref<8192x1024xf32, #tpu.memory_space<hbm>> -> memref<8192x1024xf32, #tpu.memory_space<hbm>>
      tpu.enqueue_indirect_dma source(%dma_start3A_242 : memref<8192x1024xf32, #tpu.memory_space<hbm>>) target(%dma_start3A_236 : memref<32x1024xf32, #tpu.memory_space<vmem>>) offsets(%dma_start3A_239 : memref<32xi32, #tpu.memory_space<vmem>>) semaphore(%arg8 : memref<!tpu.dma_semaphore, #tpu.memory_space<semaphore_mem>>)
    }
    %scan3A_30 = arith.constant 15 : i32
    %dma_wait3A = arith.constant 30 : i32
    %dma_wait3A_31 = arith.constant 0 : i32
    %dma_wait3A_32 = arith.constant 0 : i32
    %dma_wait3A_33 = arith.constant 0 : i32
    %dma_wait3A_34 = tpu.memref_slice %arg6[%dma_wait3A_31, %dma_wait3A_32, %dma_wait3A_33] : memref<2x32x1024xf32, #tpu.memory_space<vmem>> -> memref<1x32x1024xf32, #tpu.memory_space<vmem>>
    %dma_wait3A_35 = tpu.memref_squeeze %dma_wait3A_34 : memref<1x32x1024xf32, #tpu.memory_space<vmem>> -> memref<32x1024xf32, #tpu.memory_space<vmem>>
    %dma_wait3A_36 = arith.constant 0 : i32
    %dma_wait3A_37 = tpu.memref_slice %arg5[%dma_wait3A, %dma_wait3A_36] : memref<32x32xi32, #tpu.memory_space<vmem>> -> memref<1x32xi32, #tpu.memory_space<vmem>>
    %dma_wait3A_38 = tpu.memref_squeeze %dma_wait3A_37 : memref<1x32xi32, #tpu.memory_space<vmem>> -> memref<32xi32, #tpu.memory_space<vmem>>
    %dma_wait3A_39 = arith.constant 0 : i32
    %dma_wait3A_40 = arith.constant 0 : i32
    %dma_wait3A_41 = tpu.memref_slice %arg3[%dma_wait3A_39, %dma_wait3A_40] : memref<8192x1024xf32, #tpu.memory_space<hbm>> -> memref<8192x1024xf32, #tpu.memory_space<hbm>>
    tpu.wait_indirect_dma semaphore(%arg7 : memref<!tpu.dma_semaphore, #tpu.memory_space<semaphore_mem>>) src(%dma_wait3A_41 : memref<8192x1024xf32, #tpu.memory_space<hbm>>) dst(%dma_wait3A_35 : memref<32x1024xf32, #tpu.memory_space<vmem>>)
    %add3A_42 = arith.constant 30 : i32
    %add3A_43 = arith.addi %mul3A_2, %add3A_42 : i32
    %mul3A_44 = arith.constant 32 : i32
    %mul3A_45 = arith.muli %add3A_43, %mul3A_44 : i32
    %dma_start3A_46 = arith.constant 0 : i32
    %dma_start3A_47 = arith.constant 0 : i32
    %dma_start3A_48 = arith.constant 0 : i32
    %dma_start3A_49 = tpu.memref_slice %arg6[%dma_start3A_46, %dma_start3A_47, %dma_start3A_48] : memref<2x32x1024xf32, #tpu.memory_space<vmem>> -> memref<1x32x1024xf32, #tpu.memory_space<vmem>>
    %dma_start3A_50 = tpu.memref_squeeze %dma_start3A_49 : memref<1x32x1024xf32, #tpu.memory_space<vmem>> -> memref<32x1024xf32, #tpu.memory_space<vmem>>
    %dma_start3A_51 = arith.constant 0 : i32
    %dma_start3A_52 = tpu.memref_slice %arg4[%mul3A_45, %dma_start3A_51] : memref<32768x1024xf32, #tpu.memory_space<hbm>> -> memref<32x1024xf32, #tpu.memory_space<hbm>>
    %dma_start3A_53 = arith.constant 0 : i32
    %dma_start3A_54 = tpu.memref_slice %arg4[%mul3A_45, %dma_start3A_53] : memref<32768x1024xf32, #tpu.memory_space<hbm>> -> memref<32x1024xf32, #tpu.memory_space<hbm>>
    %dma_start3A_55 = arith.constant 0 : i32
    %dma_start3A_56 = arith.constant 0 : i32
    %dma_start3A_57 = tpu.memref_slice %arg6[%dma_start3A_46, %dma_start3A_55, %dma_start3A_56] : memref<2x32x1024xf32, #tpu.memory_space<vmem>> -> memref<1x32x1024xf32, #tpu.memory_space<vmem>>
    %dma_start3A_58 = tpu.memref_squeeze %dma_start3A_57 : memref<1x32x1024xf32, #tpu.memory_space<vmem>> -> memref<32x1024xf32, #tpu.memory_space<vmem>>
    tpu.enqueue_dma source(%dma_start3A_58 : memref<32x1024xf32, #tpu.memory_space<vmem>>) target(%dma_start3A_54 : memref<32x1024xf32, #tpu.memory_space<hbm>>) target_semaphore(%arg9 : memref<!tpu.dma_semaphore, #tpu.memory_space<semaphore_mem>>)
    %add3A_59 = arith.constant 30 : i32
    %add3A_60 = arith.addi %mul3A_2, %add3A_59 : i32
    %mul3A_61 = arith.constant 32 : i32
    %mul3A_62 = arith.muli %add3A_60, %mul3A_61 : i32
    %dma_wait3A_63 = arith.constant 0 : i32
    %dma_wait3A_64 = arith.constant 0 : i32
    %dma_wait3A_65 = arith.constant 0 : i32
    %dma_wait3A_66 = tpu.memref_slice %arg6[%dma_wait3A_63, %dma_wait3A_64, %dma_wait3A_65] : memref<2x32x1024xf32, #tpu.memory_space<vmem>> -> memref<1x32x1024xf32, #tpu.memory_space<vmem>>
    %dma_wait3A_67 = tpu.memref_squeeze %dma_wait3A_66 : memref<1x32x1024xf32, #tpu.memory_space<vmem>> -> memref<32x1024xf32, #tpu.memory_space<vmem>>
    %dma_wait3A_68 = arith.constant 0 : i32
    %dma_wait3A_69 = tpu.memref_slice %arg4[%mul3A_62, %dma_wait3A_68] : memref<32768x1024xf32, #tpu.memory_space<hbm>> -> memref<32x1024xf32, #tpu.memory_space<hbm>>
    %dma_wait3A_70 = arith.constant 0 : i32
    %dma_wait3A_71 = tpu.memref_slice %arg4[%mul3A_62, %dma_wait3A_70] : memref<32768x1024xf32, #tpu.memory_space<hbm>> -> memref<32x1024xf32, #tpu.memory_space<hbm>>
    %dma_wait3A_72 = arith.constant 0 : i32
    %dma_wait3A_73 = arith.constant 0 : i32
    %dma_wait3A_74 = tpu.memref_slice %arg6[%dma_wait3A_63, %dma_wait3A_72, %dma_wait3A_73] : memref<2x32x1024xf32, #tpu.memory_space<vmem>> -> memref<1x32x1024xf32, #tpu.memory_space<vmem>>
    %dma_wait3A_75 = tpu.memref_squeeze %dma_wait3A_74 : memref<1x32x1024xf32, #tpu.memory_space<vmem>> -> memref<32x1024xf32, #tpu.memory_space<vmem>>
    tpu.wait_dma2 semaphore(%arg9 : memref<!tpu.dma_semaphore, #tpu.memory_space<semaphore_mem>>) src(%dma_wait3A_75 : memref<32x1024xf32, #tpu.memory_space<vmem>>) dst(%dma_wait3A_71 : memref<32x1024xf32, #tpu.memory_space<hbm>>)
    %dma_wait3A_76 = arith.constant 31 : i32
    %dma_wait3A_77 = arith.constant 1 : i32
    %dma_wait3A_78 = arith.constant 0 : i32
    %dma_wait3A_79 = arith.constant 0 : i32
    %dma_wait3A_80 = tpu.memref_slice %arg6[%dma_wait3A_77, %dma_wait3A_78, %dma_wait3A_79] : memref<2x32x1024xf32, #tpu.memory_space<vmem>> -> memref<1x32x1024xf32, #tpu.memory_space<vmem>>
    %dma_wait3A_81 = tpu.memref_squeeze %dma_wait3A_80 : memref<1x32x1024xf32, #tpu.memory_space<vmem>> -> memref<32x1024xf32, #tpu.memory_space<vmem>>
    %dma_wait3A_82 = arith.constant 0 : i32
    %dma_wait3A_83 = tpu.memref_slice %arg5[%dma_wait3A_76, %dma_wait3A_82] : memref<32x32xi32, #tpu.memory_space<vmem>> -> memref<1x32xi32, #tpu.memory_space<vmem>>
    %dma_wait3A_84 = tpu.memref_squeeze %dma_wait3A_83 : memref<1x32xi32, #tpu.memory_space<vmem>> -> memref<32xi32, #tpu.memory_space<vmem>>
    %dma_wait3A_85 = arith.constant 0 : i32
    %dma_wait3A_86 = arith.constant 0 : i32
    %dma_wait3A_87 = tpu.memref_slice %arg3[%dma_wait3A_85, %dma_wait3A_86] : memref<8192x1024xf32, #tpu.memory_space<hbm>> -> memref<8192x1024xf32, #tpu.memory_space<hbm>>
    tpu.wait_indirect_dma semaphore(%arg8 : memref<!tpu.dma_semaphore, #tpu.memory_space<semaphore_mem>>) src(%dma_wait3A_87 : memref<8192x1024xf32, #tpu.memory_space<hbm>>) dst(%dma_wait3A_81 : memref<32x1024xf32, #tpu.memory_space<vmem>>)
    %add3A_88 = arith.constant 31 : i32
    %add3A_89 = arith.addi %mul3A_2, %add3A_88 : i32
    %mul3A_90 = arith.constant 32 : i32
    %mul3A_91 = arith.muli %add3A_89, %mul3A_90 : i32
    %dma_start3A_92 = arith.constant 1 : i32
    %dma_start3A_93 = arith.constant 0 : i32
    %dma_start3A_94 = arith.constant 0 : i32
    %dma_start3A_95 = tpu.memref_slice %arg6[%dma_start3A_92, %dma_start3A_93, %dma_start3A_94] : memref<2x32x1024xf32, #tpu.memory_space<vmem>> -> memref<1x32x1024xf32, #tpu.memory_space<vmem>>
    %dma_start3A_96 = tpu.memref_squeeze %dma_start3A_95 : memref<1x32x1024xf32, #tpu.memory_space<vmem>> -> memref<32x1024xf32, #tpu.memory_space<vmem>>
    %dma_start3A_97 = arith.constant 0 : i32
    %dma_start3A_98 = tpu.memref_slice %arg4[%mul3A_91, %dma_start3A_97] : memref<32768x1024xf32, #tpu.memory_space<hbm>> -> memref<32x1024xf32, #tpu.memory_space<hbm>>
    %dma_start3A_99 = arith.constant 0 : i32
    %dma_start3A_100 = tpu.memref_slice %arg4[%mul3A_91, %dma_start3A_99] : memref<32768x1024xf32, #tpu.memory_space<hbm>> -> memref<32x1024xf32, #tpu.memory_space<hbm>>
    %dma_start3A_101 = arith.constant 0 : i32
    %dma_start3A_102 = arith.constant 0 : i32
    %dma_start3A_103 = tpu.memref_slice %arg6[%dma_start3A_92, %dma_start3A_101, %dma_start3A_102] : memref<2x32x1024xf32, #tpu.memory_space<vmem>> -> memref<1x32x1024xf32, #tpu.memory_space<vmem>>
    %dma_start3A_104 = tpu.memref_squeeze %dma_start3A_103 : memref<1x32x1024xf32, #tpu.memory_space<vmem>> -> memref<32x1024xf32, #tpu.memory_space<vmem>>
    tpu.enqueue_dma source(%dma_start3A_104 : memref<32x1024xf32, #tpu.memory_space<vmem>>) target(%dma_start3A_100 : memref<32x1024xf32, #tpu.memory_space<hbm>>) target_semaphore(%arg10 : memref<!tpu.dma_semaphore, #tpu.memory_space<semaphore_mem>>)
    %add3A_105 = arith.constant 31 : i32
    %add3A_106 = arith.addi %mul3A_2, %add3A_105 : i32
    %mul3A_107 = arith.constant 32 : i32
    %mul3A_108 = arith.muli %add3A_106, %mul3A_107 : i32
    %dma_wait3A_109 = arith.constant 1 : i32
    %dma_wait3A_110 = arith.constant 0 : i32
    %dma_wait3A_111 = arith.constant 0 : i32
    %dma_wait3A_112 = tpu.memref_slice %arg6[%dma_wait3A_109, %dma_wait3A_110, %dma_wait3A_111] : memref<2x32x1024xf32, #tpu.memory_space<vmem>> -> memref<1x32x1024xf32, #tpu.memory_space<vmem>>
    %dma_wait3A_113 = tpu.memref_squeeze %dma_wait3A_112 : memref<1x32x1024xf32, #tpu.memory_space<vmem>> -> memref<32x1024xf32, #tpu.memory_space<vmem>>
    %dma_wait3A_114 = arith.constant 0 : i32
    %dma_wait3A_115 = tpu.memref_slice %arg4[%mul3A_108, %dma_wait3A_114] : memref<32768x1024xf32, #tpu.memory_space<hbm>> -> memref<32x1024xf32, #tpu.memory_space<hbm>>
    %dma_wait3A_116 = arith.constant 0 : i32
    %dma_wait3A_117 = tpu.memref_slice %arg4[%mul3A_108, %dma_wait3A_116] : memref<32768x1024xf32, #tpu.memory_space<hbm>> -> memref<32x1024xf32, #tpu.memory_space<hbm>>
    %dma_wait3A_118 = arith.constant 0 : i32
    %dma_wait3A_119 = arith.constant 0 : i32
    %dma_wait3A_120 = tpu.memref_slice %arg6[%dma_wait3A_109, %dma_wait3A_118, %dma_wait3A_119] : memref<2x32x1024xf32, #tpu.memory_space<vmem>> -> memref<1x32x1024xf32, #tpu.memory_space<vmem>>
    %dma_wait3A_121 = tpu.memref_squeeze %dma_wait3A_120 : memref<1x32x1024xf32, #tpu.memory_space<vmem>> -> memref<32x1024xf32, #tpu.memory_space<vmem>>
    tpu.wait_dma2 semaphore(%arg10 : memref<!tpu.dma_semaphore, #tpu.memory_space<semaphore_mem>>) src(%dma_wait3A_121 : memref<32x1024xf32, #tpu.memory_space<vmem>>) dst(%dma_wait3A_117 : memref<32x1024xf32, #tpu.memory_space<hbm>>)
    return
  }
}

</mosaic_0001>

<sc_bundles>
// kernel: _sc_gather.3.cloned.1.call-start
scs
__scs_entry_jumppad:
0x0: {  	(pc) =	sbr.rel $0x88, $3  }
0x1: {  	(tag) =	ssettag $0x0;
	lr =	simm.s32 $0x1  }
0x2: {  	[smem:$0x3F9F] =	sst lr;
	_ =	strace $0xD0000000  }
0x3: {  	_ = 	snop  }
0x4: {  	_ = 	snop  }
0x5: {  	_ = 	snop  }
0x6: {  	_ = 	snop  }
0x7: {  	_ = 	snop  }
__scs_overlays_trampoline_lowered:
0x8: {  	[smem:$0x3FAE] =	sst s0  }
0x9: {  	[smem:$0x3FAF] =	sst s1  }
0xa: {  	[smem:$0x3FB0] =	sst s2  }
0xb: {  	[smem:$0x3FB1] =	sst s3  }
0xc: {  	[smem:$0x3FB2] =	sst s4  }
0xd: {  	[smem:$0x3FB3] =	sst s5  }
0xe: {  	[smem:$0x3FB4] =	sst s6  }
0xf: {  	[smem:$0x3FB5] =	sst s7  }
0x10: {  	[smem:$0x3FB6] =	sst s8  }
0x11: {  	[smem:$0x3FB7] =	sst s9;
	s0 =	simm.s32 @!p0 $0x0  }
0x12: {  	s1 =	sld [smem:$0x3F9D];
	s0 =	simm.s32 @p0 $0x1  }
0x13: {  	[smem:$0x3FB8] =	sst s0;
	s0 =	simm.s32 @!p1 $0x0  }
0x14: {  	s2 =	sld [smem:$0x3F9C];
	s0 =	simm.s32 @p1 $0x1  }
0x15: {  	[smem:$0x3FB9] =	sst s0;
	s0 =	simm.s32 @!p2 $0x0  }
0x16: {  	s3 =	sld [smem:$0x3FDB];
	s0 =	simm.s32 @p2 $0x1  }
0x17: {  	s4 =	simm.s32 $0x1BF5;
	[smem:$0x3FBB] =	sst s0  }
0x18: {  	s0 =	sld [smem:$0x3F9E];
	_ =	swait.ge [sflag:s4], $0x0  }
0x19: {  	s7 =	sld [smem:$0x3F9F]  }
0x1a: {  	s8 =	sadd.s32 $0xFFFFE003, lr  }
0x1b: {  	s9 =	sadd.s32 $0xFFFFFEF7, lr;
	s5 =	simm.s32 $0xFFFFFFFF;
	p2 =	slt.u32 s8, $0xFFFFF086  }
0x1c: {  	p1 =	slt.u32 s9, $0xF7A;
	s5 =	simm.s32 @!p2 $0x0  }
0x1d: {  	s5 =	simm.s32 @p1 $0x1;
	p0 =	seq.s32 s7, s2  }
0x1e: {  	s7 =	smul.u32 @!p0 $0xF7A, s2;
	p2 =	seq.s32 @!p0 s5, $0x0  }
0x1f: {  	s9 =	smul.u32 $0xF7A, s1;
	s8 =	simm.s32 @!p0 $0x1BF5;
	p2 =	por !p2, p0  }
0x20: {  	[sflag:s8] =	ssyncset.s32 @!p0 $0xFFFFF086;
	s6 =	sadd.s32 @!p0 s3, s7;
	s7 =	simm.s32 @!p0 $0x108  }
0x21: {  	s3 =	sadd.s32 s3, s9;
	s6 =	sadd.s32 @!p0 $0x88, s6;
	s7 =	simm.s32 @p2 $0x1082  }
0x22: {  	[simem:s7], [sflag:s8] =	dma.local @!p0 [hbm:s6], $0xF7A  }
0x23: {  	s9 =	sor.u32 $0xD0000000, s2;
	s6 =	simm.s32 $0x108;
	_ =	swait.ge @!p0 [sflag:s8], $0x0  }
0x24: {  	s3 =	sadd.s32 $0x88, s3;
	s6 =	simm.s32 @!p1 $0x1082;
	[sflag:s4] =	ssyncset.s32 $0xFFFFF086  }
0x25: {  	[simem:s6], [sflag:s4] =	dma.local [hbm:s3], $0xF7A  }
0x26: {  	[smem:$0x3F9F] =	sst s1;
	(tag) =	ssettag s2;
	_ =	strace s9  }
0x27: {  	s1 =	sld [smem:$0x3FAF]  }
0x28: {  	s2 =	sld [smem:$0x3FB0]  }
0x29: {  	s4 =	sld [smem:$0x3FB2]  }
0x2a: {  	p0 =	seq.s32 s5, $0x0;
	s5 =	sld [smem:$0x3FB3]  }
0x2b: {  	s6 =	sld [smem:$0x3FB4]  }
0x2c: {  	s7 =	sld [smem:$0x3FB5]  }
0x2d: {  	s3 =	simm.s32 $0x108;
	s8 =	sld [smem:$0x3FB6]  }
0x2e: {  	s3 =	simm.s32 @!p0 $0x1082;
	s9 =	sld [smem:$0x3FB7]  }
0x2f: {  	lr =	sadd.s32 s0, s3;
	s0 =	sld [smem:$0x3FAE]  }
0x30: {  	s3 =	sld [smem:$0x3FB1]  }
0x31: {  	[smem:$0x3FBA] =	sst s10  }
0x32: {  	s10 =	sld [smem:$0x3FB8];
	_ =	sdelay $0x3  }
0x33: {  	p0 =	seq.s32 s10, $0x1;
	s10 =	sld [smem:$0x3FBA];
	_ =	sdelay $0x3  }
0x34: {  	[smem:$0x3FBA] =	sst s10  }
0x35: {  	s10 =	sld [smem:$0x3FB9];
	_ =	sdelay $0x3  }
0x36: {  	p1 =	seq.s32 s10, $0x1;
	s10 =	sld [smem:$0x3FBA];
	_ =	sdelay $0x3  }
0x37: {  	[smem:$0x3FBA] =	sst s10  }
0x38: {  	s10 =	sld [smem:$0x3FBB]  }
0x39: {  	_ = 	snop;
	(pc) =	sbr.ind lr, $3  }
0x3a: {  	_ = 	snop  }
0x3b: {  	_ = 	snop  }
0x3c: {  	p2 =	seq.s32 s10, $0x1;
	s10 =	sld [smem:$0x3FBA]  }
0x3d: {  	_ =	shalt  }
0x3e: {  	_ =	shalt  }
0x3f: {  	_ =	shalt  }
0x40: {  	_ =	shalt  }
0x41: {  	_ =	shalt  }
0x42: {  	_ =	shalt  }
0x43: {  	_ =	shalt  }
0x44: {  	_ =	shalt  }
0x45: {  	_ =	shalt  }
0x46: {  	_ =	shalt  }
0x47: {  	_ =	shalt  }
0x48: {  	_ =	shalt  }
0x49: {  	_ =	shalt  }
0x4a: {  	_ =	shalt  }
0x4b: {  	_ =	shalt  }
0x4c: {  	_ =	shalt  }
0x4d: {  	_ =	shalt  }
0x4e: {  	_ =	shalt  }
0x4f: {  	_ =	shalt  }
0x50: {  	_ =	shalt  }
0x51: {  	_ =	shalt  }
0x52: {  	_ =	shalt  }
0x53: {  	_ =	shalt  }
0x54: {  	_ =	shalt  }
0x55: {  	_ =	shalt  }
0x56: {  	_ =	shalt  }
0x57: {  	_ =	shalt  }
0x58: {  	_ =	shalt  }
0x59: {  	_ =	shalt  }
0x5a: {  	_ =	shalt  }
0x5b: {  	_ =	shalt  }
0x5c: {  	_ =	shalt  }
0x5d: {  	_ =	shalt  }
0x5e: {  	_ =	shalt  }
0x5f: {  	_ =	shalt  }
0x60: {  	_ =	shalt  }
0x61: {  	_ =	shalt  }
0x62: {  	_ =	shalt  }
0x63: {  	_ =	shalt  }
0x64: {  	_ =	shalt  }
0x65: {  	_ =	shalt  }
0x66: {  	_ =	shalt  }
0x67: {  	_ =	shalt  }
0x68: {  	_ =	shalt  }
0x69: {  	_ =	shalt  }
0x6a: {  	_ =	shalt  }
0x6b: {  	_ =	shalt  }
0x6c: {  	_ =	shalt  }
0x6d: {  	_ =	shalt  }
0x6e: {  	_ =	shalt  }
0x6f: {  	_ =	shalt  }
0x70: {  	_ =	shalt  }
0x71: {  	_ =	shalt  }
0x72: {  	_ =	shalt  }
0x73: {  	_ =	shalt  }
0x74: {  	_ =	shalt  }
0x75: {  	_ =	shalt  }
0x76: {  	_ =	shalt  }
0x77: {  	_ =	shalt  }
0x78: {  	_ =	shalt  }
0x79: {  	_ =	shalt  }
0x7a: {  	_ =	shalt  }
0x7b: {  	_ =	shalt  }
0x7c: {  	_ =	shalt  }
0x7d: {  	_ =	shalt  }
0x7e: {  	_ =	shalt  }
0x7f: {  	_ =	shalt  }
0x80: {  	_ =	shalt  }
0x81: {  	_ =	shalt  }
0x82: {  	_ =	shalt  }
0x83: {  	_ =	shalt  }
0x84: {  	_ =	shalt  }
0x85: {  	_ =	shalt  }
0x86: {  	_ =	shalt  }
0x87: {  	_ =	shalt  }
.Lfunc_end0:
.L_simem_size_0:
called_computation_lowered:
.L_overlay_start_0:
0x88: {  	s2 =	sld [smem:$0x3FD9]  }
0x89: {  	s3 =	sld [smem:$0x3FFE];
	_ =	sdelay $0x1  }
0x8a: {  	s1 =	srdreg.scid  }
0x8b: {  	s0 =	sand.u32 $0x1, s1  }
0x8c: {  	s17 =	sshll.u32 s0, $0xA;
	s2 =	sadd.s32 s3, s2  }
0x8d: {  	s2 =	sadd.s32 s2, s17  }
0x8e: {  	[smem:$0x3FC6] =	sst s2  }
0x8f: {  	_ = 	snop  }
0x90: {  	s2 =	sld [smem:$0x3FC8]  }
0x91: {  	s18 =	sld [smem:$0x3FD0];
	(tm) =	ssettm $0x1  }
0x92: {  	s4 =	sld [smem:$0x3FFB];
	_ =	sdelay $0x3  }
0x93: {  	_ =	strace s4  }
0x94: {  	s4 =	sld [smem:$0x3FFC];
	_ =	sdelay $0x3  }
0x95: {  	_ =	strace s4  }
0x96: {  	s4 =	sld [smem:$0x3FFD];
	_ =	sdelay $0x3  }
0x97: {  	_ =	strace s4  }
0x98: {  	_ =	strace $0x8FFFFFFF  }
0x99: {  	s19 =	sld [smem:$0x3FDB];
	_ =	sdelay $0x1  }
0x9a: {  	s5 =	simm.s32 $_scs_section_size  }
0x9b: {  	s6 =	simm.s32 $_size__tile_overlayer_lowered;
	s7 =	simm.s32 $_tile_overlayer_lowered  }
0x9c: {  	s22 =	simm.s32 $0x1BFF;
	s21 =	sshll.u32 s7, $0x1;
	s4 =	sadd.s32 s5, s19  }
0x9d: {  	s8 =	simm.s32 $0x0;
	s20 =	sshll.u32 s6, $0x1;
	s6 =	sadd.s32 s21, s4  }
0x9e: {  	[timem:s8], [sflag:s22] =	dma.local [hbm:s6], s20  }
0x9f: {  	_ =	swait.ge [sflag:s22], s20  }
0xa0: {  	s5 =	ssub.s32 $0x0, s20;
	[sflag:s22] =	ssyncset.done $0x0  }
0xa1: {  	[sflag:s22] =	ssyncadd.s32 s5;
	_ =	sdelay $0x1  }
0xa2: {  	s23 =	simm.s32 $0x1B8B  }
0xa3: {  	_ =	swait.ge [sflag:s23], $0x1  }
0xa4: {  	[sflag:s23] =	ssyncset.done $0x0  }
0xa5: {  	s25 =	simm.s32 $0x1B8E;
	s24 =	sld [smem:$0x3FFE];
	[sflag:s23] =	ssyncadd.s32 $0xFFFFFFFF  }
0xa6: {  	s26 =	simm.s32 $execute0_lowered;
	[smem:$0x3FD2] =	sst s25  }
0xa7: {  	s6 =	sshll.u32 s26, $0x1;
	_ =	strace $0x80000046;
	[dreg:$0x1] =	wrdreg $0xFFFFFFFF  }
0xa8: {  	s28 =	simm.s32 $_size_execute0_lowered;
	s4 =	sadd.s32 s4, s6;
	[dreg:$0x0] =	wrdreg $0x0  }
0xa9: {  	s6 =	sshll.u32 s28, $0x1;
	[dreg:$0x2] =	wrdreg s4  }
0xaa: {  	[dreg:$0x3] =	wrdreg s6  }
0xab: {  	[dreg:$0x4] =	wrdreg $0xC0  }
0xac: {  	_ =	task [dreg:s8], $0x5FFFF  }
0xad: {  	[dreg:$0x1] =	wrdreg $0xFFFFFFFF  }
0xae: {  	[dreg:$0x0] =	wrdreg $0x60  }
0xaf: {  	[dreg:$0x2] =	wrdreg s24  }
0xb0: {  	[dreg:$0x3] =	wrdreg s2  }
0xb1: {  	[dreg:$0x4] =	wrdreg s18  }
0xb2: {  	[dreg:$0x5] =	wrdreg $0x9  }
0xb3: {  	_ =	task.clear_ibuf [dreg:s8], $0x6FFFF;
	_ =	strace $0x90000046  }
0xb4: {  	s29 =	simm.s32 $0x9;
	_ =	strace $0x80000048  }
0xb5: {  	_ =	swait.ge [sflag:s29], $0x1  }
0xb6: {  	[sflag:s29] =	ssyncadd.s32 $0xFFFFFFFF  }
0xb7: {  	_ =	strace $0x90000048  }
0xb8: {  	_ =	sfence  }
0xb9: {  	s30 =	sld [smem:$0x0];
	_ =	sdelay $0x2  }
0xba: {  	s31 =	sshll.u32 s1, $0xD;
	s1 =	sshrl.u32 s1, $0x2  }
0xbb: {  	s3 =	sand.u32 $0x4000, s31;
	s1 =	sadd.s32 s1, s30  }
0xbc: {  	s0 =	sor.u32 s3, s0;
	s1 =	sshll.u32 s1, $0x11  }
0xbd: {  	s0 =	sor.u32 s1, s0  }
0xbe: {  	s0 =	sadd.s32 $0x8F2B, s0  }
0xbf: {  	[sflag:s0] =	ssyncadd.remote.s32 $0x1  }
0xc0: {  	_ =	sfence.sel $0xFFFF  }
0xc1: {  	[dreg:$0x0] =	wrdreg $0xFFFFFFFF;
	(pc) =	sbr.abs _section_cstart, $3  }
0xc2: {  	[dreg:$0x1] =	wrdreg $0xFFFFFFFF  }
0xc3: {  	_ =	task.clear_ibuf [dreg:s8], $0x2FFFF;
	_ =	strace $0x9FFFFFFF  }
0xc4: {  	(tm) =	ssettm $0x7FFFFFFF  }
0xc5: {  	_ =	shalt  }
tec
execute0_lowered:
.L_overlay_start_1:
0x0: {  	(tag) =	ssettag $0x1  }
0x1: {  	s0 =	rddreg [dreg:$0x0]  }
0x2: {  	s1 =	srdreg.scid;
	s2 =	rddreg [dreg:$0x1]  }
0x3: {  	s9 =	stileid.u32;
	s4 =	rddreg [dreg:$0x2]  }
0x4: {  	s29 =	simm.s32 $0x1000;
	s28 =	simm.s32 $0x3000;
	s11 =	simm.s32 $0x6800  }
0x5: {  	s13 =	simm.s32 $0x7000;
	s14 =	simm.s32 $0x7800;
	s15 =	simm.s32 $0x8000  }
0x6: {  	s16 =	simm.s32 $0x8800;
	s30 =	simm.s32 $0x9000;
	s17 =	simm.s32 $0x9800  }
0x7: {  	s18 =	simm.s32 $0xA000;
	s12 =	simm.s32 $0xA800;
	s31 =	simm.s32 $0xB000  }
0x8: {  	s19 =	simm.s32 $0x1;
	s20 =	simm.s32 $0x3;
	s21 =	simm.s32 $0x2  }
0x9: {  	s22 =	simm.s32 $0x4;
	s1 =	sand.u32 $0x1, s1;
	s3 =	sshll.u32 s9, $0x6  }
0xa: {  	s9 =	sshll.u32 s9, $0x12;
	s5 =	sshll.u32 s1, $0x5;
	s6 =	ssub.s32 $0x2, s1  }
0xb: {  	s1 =	sshll.u32 s1, $0x11;
	s7 =	sor.u32 s5, s3;
	s3 =	simm.s32 $0x0  }
0xc: {  	s23 =	sshrl.u32 s6, $0x1;
	s5 =	sshll.u32 s7, $0x4;
	[smem:$0x7FF] =	sst s3  }
0xd: {  	s8 =	ssub.s32 s6, s23;
	s6 =	sadd.s32 $0x200, s2;
	s24 =	sshll.u32 s7, $0xC  }
0xe: {  	s7 =	sadd.s32 $0x300, s2;
	s23 =	simm.s32 $0x0;
	s0 =	sadd.s32 s5, s0  }
0xf: {  	_ =	strace $0x80000047;
	s25 =	smax.u32 s8, $0x1;
	[dreg:$0x9] =	wrdreg s23  }
0x10: {  	s5 =	sadd.s32 $0x100, s2;
	s0 =	sadd.s32 $0x400, s0;
	[dreg:$0x8] =	wrdreg s25  }
0x11: {  	s8 =	simm.s32 $0x5000;
	[dreg:$0x5] =	wrdreg s0;
	s0 =	sadd.s32 s24, s4  }
0x12: {  	s25 =	simm.s32 $0x2000;
	s4 =	sadd.s32 s9, s4;
	s10 =	sadd.s32 $0x1E000, s0  }
0x13: {  	s24 =	simm.s32 $0x1800;
	s0 =	sadd.s32 $0x1F000, s0;
	[dreg:$0x6] =	wrdreg s10  }
0x14: {  	v2 =	vlaneseq.u32;
	s9 =	simm.s32 $0x5800;
	s26 =	sadd.s32 s1, s4;
	[dreg:$0x7] =	wrdreg s0  }
0x15: {  	vm0 =	vmmov $0xffff;
	v1 =	vshrl.u32 v2, $0x3;
	s1 =	simm.s32 $0x3800;
	s4 =	simm.s32 $0x4800;
	[dreg:$0x4] =	wrdreg s26  }
0x16: {  	v0 =	vand.u32 $0x7, v2;
	v2 =	vor.u32 $0x8, v2;
	v1 =	vmul.u32 $0x8, v1;
	s26 =	simm.s32 $0x2800;
	s0 =	simm.s32 $0x4000;
	s10 =	simm.s32 $0x6000  }
.LBB2_1:
0x17: {  	s23 =	rddreg [dreg:$0x5]  }
0x18: {  	[tilespmem:s3], [sflag:$0x5] =	stream.linear.gather [hbm4b:s23+s3], $0x1000, $0x38;
	[tilespmem:$0x11000] =	vst v63  }
0x19: {  	s23 =	simm.s32 $0x5  }
0x1a: {  	_ =	swait.ge [sflag:s23], $0x1000  }
0x1b: {  	[sflag:s23] =	ssyncset.done $0x0  }
0x1c: {  	[sflag:s23] =	ssyncadd.s32 $0xFFFFF000  }
0x1d: {  	v3 =	vld [tilespmem:$0x0];
	_ =	sdelay $0x4  }
0x1e: {  	v4 =	vshll.u32 v3, $0x3  }
0x1f: {  	v3 =	vand.u32 $0x7, v3;
	v4 =	vand.u32 $0xFFFFFFC0, v4  }
0x20: {  	v3 =	vor.u32 v3, v4  }
0x21: {  	v4 =	vperm.xlane v3, v0;
	_ =	sdelay $0x1  }
0x22: {  	v4 =	vadd.s32 v1, v4;
	_ =	sdelay $0x4  }
0x23: {  	[tilespmem:s29], [sflag:$0x1] =	stream.indirect_vreg.gather [hbm4b:s2+s3], $0x80, v4, vm0, $0xb8;
	[tilespmem:$0x11000] =	vst v63  }
0x24: {  	v3 =	vperm.xlane v3, v2  }
0x25: {  	[tilespmem:s24], [sflag:$0x1] =	stream.indirect_vreg.gather [hbm4b:s5+s3], $0x80, v4, vm0, $0xb8;
	[tilespmem:$0x11000] =	vst v63  }
0x26: {  	v3 =	vadd.s32 v1, v3  }
0x27: {  	[tilespmem:s25], [sflag:$0x1] =	stream.indirect_vreg.gather [hbm4b:s6+s3], $0x80, v4, vm0, $0xb8;
	[tilespmem:$0x11000] =	vst v63  }
0x28: {  	_ = 	snop  }
0x29: {  	[tilespmem:s26], [sflag:$0x1] =	stream.indirect_vreg.gather [hbm4b:s7+s3], $0x80, v4, vm0, $0xb8;
	[tilespmem:$0x11000] =	vst v63  }
0x2a: {  	_ = 	snop  }
0x2b: {  	[tilespmem:s28], [sflag:$0x1] =	stream.indirect_vreg.gather [hbm4b:s2+s3], $0x80, v3, vm0, $0xb8;
	[tilespmem:$0x11000] =	vst v63  }
0x2c: {  	_ = 	snop  }
0x2d: {  	[tilespmem:s1], [sflag:$0x1] =	stream.indirect_vreg.gather [hbm4b:s5+s3], $0x80, v3, vm0, $0xb8;
	[tilespmem:$0x11000] =	vst v63  }
0x2e: {  	_ = 	snop  }
0x2f: {  	[tilespmem:s0], [sflag:$0x1] =	stream.indirect_vreg.gather [hbm4b:s6+s3], $0x80, v3, vm0, $0xb8;
	[tilespmem:$0x11000] =	vst v63  }
0x30: {  	_ = 	snop  }
0x31: {  	[tilespmem:s4], [sflag:$0x1] =	stream.indirect_vreg.gather [hbm4b:s7+s3], $0x80, v3, vm0, $0xb8;
	[tilespmem:$0x11000] =	vst v63  }
0x32: {  	v3 =	vld [tilespmem:$0x10];
	_ =	sdelay $0x4  }
0x33: {  	v61 =	vshll.u32 v3, $0x3  }
0x34: {  	v3 =	vand.u32 $0x7, v3;
	v4 =	vand.u32 $0xFFFFFFC0, v61  }
0x35: {  	v3 =	vor.u32 v3, v4  }
0x36: {  	v4 =	vperm.xlane v3, v0;
	_ =	sdelay $0x1  }
0x37: {  	v4 =	vadd.s32 v1, v4;
	_ =	sdelay $0x4  }
0x38: {  	[tilespmem:s8], [sflag:$0x1] =	stream.indirect_vreg.gather [hbm4b:s2+s3], $0x80, v4, vm0, $0xb8;
	[tilespmem:$0x11000] =	vst v63  }
0x39: {  	v3 =	vperm.xlane v3, v2  }
0x3a: {  	[tilespmem:s9], [sflag:$0x1] =	stream.indirect_vreg.gather [hbm4b:s5+s3], $0x80, v4, vm0, $0xb8;
	[tilespmem:$0x11000] =	vst v63  }
0x3b: {  	v3 =	vadd.s32 v1, v3  }
0x3c: {  	[tilespmem:s10], [sflag:$0x1] =	stream.indirect_vreg.gather [hbm4b:s6+s3], $0x80, v4, vm0, $0xb8;
	[tilespmem:$0x11000] =	vst v63  }
0x3d: {  	_ = 	snop  }
0x3e: {  	[tilespmem:s11], [sflag:$0x1] =	stream.indirect_vreg.gather [hbm4b:s7+s3], $0x80, v4, vm0, $0xb8;
	[tilespmem:$0x11000] =	vst v63  }
0x3f: {  	_ = 	snop  }
0x40: {  	[tilespmem:s13], [sflag:$0x1] =	stream.indirect_vreg.gather [hbm4b:s2+s3], $0x80, v3, vm0, $0xb8;
	[tilespmem:$0x11000] =	vst v63  }
0x41: {  	_ = 	snop  }
0x42: {  	[tilespmem:s14], [sflag:$0x1] =	stream.indirect_vreg.gather [hbm4b:s5+s3], $0x80, v3, vm0, $0xb8;
	[tilespmem:$0x11000] =	vst v63  }
0x43: {  	_ = 	snop  }
0x44: {  	[tilespmem:s15], [sflag:$0x1] =	stream.indirect_vreg.gather [hbm4b:s6+s3], $0x80, v3, vm0, $0xb8;
	[tilespmem:$0x11000] =	vst v63  }
0x45: {  	_ = 	snop  }
0x46: {  	[tilespmem:s16], [sflag:$0x1] =	stream.indirect_vreg.gather [hbm4b:s7+s3], $0x80, v3, vm0, $0xb8;
	[tilespmem:$0x11000] =	vst v63  }
0x47: {  	v3 =	vld [tilespmem:$0x80];
	_ =	sdelay $0x4  }
0x48: {  	v62 =	vshll.u32 v3, $0x3  }
0x49: {  	v3 =	vand.u32 $0x7, v3;
	v4 =	vand.u32 $0xFFFFFFC0, v62  }
0x4a: {  	v3 =	vor.u32 v3, v4  }
0x4b: {  	v4 =	vperm.xlane v3, v0;
	_ =	sdelay $0x1  }
0x4c: {  	v4 =	vadd.s32 v1, v4;
	_ =	sdelay $0x4  }
0x4d: {  	[tilespmem:s30], [sflag:$0x2] =	stream.indirect_vreg.gather [hbm4b:s2+s3], $0x80, v4, vm0, $0xb8;
	[tilespmem:$0x11000] =	vst v63  }
0x4e: {  	v3 =	vperm.xlane v3, v2  }
0x4f: {  	[tilespmem:s17], [sflag:$0x2] =	stream.indirect_vreg.gather [hbm4b:s5+s3], $0x80, v4, vm0, $0xb8;
	[tilespmem:$0x11000] =	vst v63  }
0x50: {  	v3 =	vadd.s32 v1, v3  }
0x51: {  	[tilespmem:s18], [sflag:$0x2] =	stream.indirect_vreg.gather [hbm4b:s6+s3], $0x80, v4, vm0, $0xb8;
	[tilespmem:$0x11000] =	vst v63  }
0x52: {  	_ = 	snop  }
0x53: {  	[tilespmem:s12], [sflag:$0x2] =	stream.indirect_vreg.gather [hbm4b:s7+s3], $0x80, v4, vm0, $0xb8;
	[tilespmem:$0x11000] =	vst v63  }
0x54: {  	_ = 	snop  }
0x55: {  	[tilespmem:s31], [sflag:$0x2] =	stream.indirect_vreg.gather [hbm4b:s2+s3], $0x80, v3, vm0, $0xb8;
	[tilespmem:$0x11000] =	vst v63  }
0x56: {  	s15 =	simm.s32 $0xB800  }
0x57: {  	[tilespmem:s15], [sflag:$0x2] =	stream.indirect_vreg.gather [hbm4b:s5+s3], $0x80, v3, vm0, $0xb8;
	[tilespmem:$0x11000] =	vst v63  }
0x58: {  	s16 =	simm.s32 $0xC000  }
0x59: {  	[tilespmem:s16], [sflag:$0x2] =	stream.indirect_vreg.gather [hbm4b:s6+s3], $0x80, v3, vm0, $0xb8;
	[tilespmem:$0x11000] =	vst v63  }
0x5a: {  	s17 =	simm.s32 $0xC800  }
0x5b: {  	[tilespmem:s17], [sflag:$0x2] =	stream.indirect_vreg.gather [hbm4b:s7+s3], $0x80, v3, vm0, $0xb8;
	[tilespmem:$0x11000] =	vst v63  }
0x5c: {  	v3 =	vld [tilespmem:$0x90];
	_ =	sdelay $0x4  }
0x5d: {  	v63 =	vshll.u32 v3, $0x3  }
0x5e: {  	v3 =	vand.u32 $0x7, v3;
	v4 =	vand.u32 $0xFFFFFFC0, v63  }
0x5f: {  	v3 =	vor.u32 v3, v4  }
0x60: {  	v4 =	vperm.xlane v3, v0;
	_ =	sdelay $0x1  }
0x61: {  	v4 =	vadd.s32 v1, v4;
	_ =	sdelay $0x2  }
0x62: {  	s23 =	simm.s32 $0xD800  }
0x63: {  	s29 =	simm.s32 $0xF800;
	s24 =	simm.s32 $0xE000;
	s18 =	simm.s32 $0xD000  }
0x64: {  	[tilespmem:s18], [sflag:$0x2] =	stream.indirect_vreg.gather [hbm4b:s2+s3], $0x80, v4, vm0, $0xb8;
	[tilespmem:$0x11000] =	vst v63  }
0x65: {  	s25 =	simm.s32 $0xE800;
	s26 =	simm.s32 $0xF000;
	s28 =	simm.s32 $0x2000;
	v3 =	vperm.xlane v3, v2  }
0x66: {  	[tilespmem:s23], [sflag:$0x2] =	stream.indirect_vreg.gather [hbm4b:s5+s3], $0x80, v4, vm0, $0xb8;
	[tilespmem:$0x11000] =	vst v63  }
0x67: {  	s0 =	simm.s32 $0x10800;
	s4 =	simm.s32 $0x4800;
	s8 =	simm.s32 $0x5000;
	v3 =	vadd.s32 v1, v3  }
0x68: {  	[tilespmem:s24], [sflag:$0x2] =	stream.indirect_vreg.gather [hbm4b:s6+s3], $0x80, v4, vm0, $0xb8;
	[tilespmem:$0x11000] =	vst v63  }
0x69: {  	s9 =	simm.s32 $0x5800;
	s10 =	simm.s32 $0x6000;
	s11 =	simm.s32 $0x6800  }
0x6a: {  	[tilespmem:s25], [sflag:$0x2] =	stream.indirect_vreg.gather [hbm4b:s7+s3], $0x80, v4, vm0, $0xb8;
	[tilespmem:$0x11000] =	vst v63  }
0x6b: {  	s13 =	simm.s32 $0x7000;
	s14 =	simm.s32 $0x7800;
	s30 =	simm.s32 $0x10000  }
0x6c: {  	[tilespmem:s26], [sflag:$0x2] =	stream.indirect_vreg.gather [hbm4b:s2+s3], $0x80, v3, vm0, $0xb8;
	[tilespmem:$0x11000] =	vst v63  }
0x6d: {  	s12 =	simm.s32 $0xA800;
	s31 =	simm.s32 $0x3000;
	s15 =	simm.s32 $0x8000  }
0x6e: {  	[tilespmem:s29], [sflag:$0x2] =	stream.indirect_vreg.gather [hbm4b:s5+s3], $0x80, v3, vm0, $0xb8;
	[tilespmem:$0x11000] =	vst v63  }
0x6f: {  	s16 =	simm.s32 $0x8800;
	s17 =	simm.s32 $0x9800;
	s18 =	simm.s32 $0xA000  }
0x70: {  	[tilespmem:s30], [sflag:$0x2] =	stream.indirect_vreg.gather [hbm4b:s6+s3], $0x80, v3, vm0, $0xb8;
	[tilespmem:$0x11000] =	vst v63  }
0x71: {  	s23 =	simm.s32 $0x190;
	s24 =	simm.s32 $0x0;
	s26 =	simm.s32 $0xB000  }
0x72: {  	[tilespmem:s0], [sflag:$0x2] =	stream.indirect_vreg.gather [hbm4b:s7+s3], $0x80, v3, vm0, $0xb8;
	[tilespmem:$0x11000] =	vst v63  }
.LBB2_2:
0x73: {  	_ =	swait.ge [sflag:s19], $0x8000  }
0x74: {  	s25 =	rddreg [dreg:$0x4];
	[sflag:s19] =	ssyncset.done $0x0  }
0x75: {  	s30 =	simm.s32 $0x1000;
	[sflag:s19] =	ssyncadd.s32 $0xFFFF8000;
	s25 =	sadd.s32 s24, s25  }
0x76: {  	[hbm4b:s25+s3] =	stream.linear.scatter [tilespmem:s30], [sflag:$0x3], $0x8000, $0x38;
	[tilespmem:$0x11000] =	vst v63  }
0x77: {  	_ =	swait.ge [sflag:s20], $0x8000  }
0x78: {  	[sflag:s20] =	ssyncset.done $0x0  }
0x79: {  	[sflag:s20] =	ssyncadd.s32 $0xFFFF8000  }
0x7a: {  	v3 =	vld [tilespmem:s23+$0xFFFFFF70];
	_ =	sdelay $0x4  }
0x7b: {  	v4 =	vshll.u32 v3, $0x3  }
0x7c: {  	v3 =	vand.u32 $0x7, v3;
	v4 =	vand.u32 $0xFFFFFFC0, v4  }
0x7d: {  	v3 =	vor.u32 v3, v4  }
0x7e: {  	v4 =	vperm.xlane v3, v0;
	_ =	sdelay $0x1  }
0x7f: {  	v4 =	vadd.s32 v1, v4;
	_ =	sdelay $0x4  }
0x80: {  	[tilespmem:s30], [sflag:$0x1] =	stream.indirect_vreg.gather [hbm4b:s2+s3], $0x80, v4, vm0, $0xb8;
	[tilespmem:$0x11000] =	vst v63  }
0x81: {  	s1 =	simm.s32 $0x1800;
	v3 =	vperm.xlane v3, v2  }
0x82: {  	[tilespmem:s1], [sflag:$0x1] =	stream.indirect_vreg.gather [hbm4b:s5+s3], $0x80, v4, vm0, $0xb8;
	[tilespmem:$0x11000] =	vst v63  }
0x83: {  	v3 =	vadd.s32 v1, v3  }
0x84: {  	[tilespmem:s28], [sflag:$0x1] =	stream.indirect_vreg.gather [hbm4b:s6+s3], $0x80, v4, vm0, $0xb8;
	[tilespmem:$0x11000] =	vst v63  }
0x85: {  	s1 =	simm.s32 $0x2800  }
0x86: {  	[tilespmem:s1], [sflag:$0x1] =	stream.indirect_vreg.gather [hbm4b:s7+s3], $0x80, v4, vm0, $0xb8;
	[tilespmem:$0x11000] =	vst v63  }
0x87: {  	_ = 	snop  }
0x88: {  	[tilespmem:s31], [sflag:$0x1] =	stream.indirect_vreg.gather [hbm4b:s2+s3], $0x80, v3, vm0, $0xb8;
	[tilespmem:$0x11000] =	vst v63  }
0x89: {  	s1 =	simm.s32 $0x3800  }
0x8a: {  	[tilespmem:s1], [sflag:$0x1] =	stream.indirect_vreg.gather [hbm4b:s5+s3], $0x80, v3, vm0, $0xb8;
	[tilespmem:$0x11000] =	vst v63  }
0x8b: {  	s1 =	simm.s32 $0x4000  }
0x8c: {  	[tilespmem:s1], [sflag:$0x1] =	stream.indirect_vreg.gather [hbm4b:s6+s3], $0x80, v3, vm0, $0xb8;
	[tilespmem:$0x11000] =	vst v63  }
0x8d: {  	_ = 	snop  }
0x8e: {  	[tilespmem:s4], [sflag:$0x1] =	stream.indirect_vreg.gather [hbm4b:s7+s3], $0x80, v3, vm0, $0xb8;
	[tilespmem:$0x11000] =	vst v63  }
0x8f: {  	v3 =	vld [tilespmem:s23+$0xFFFFFF80];
	_ =	sdelay $0x4  }
0x90: {  	v61 =	vshll.u32 v3, $0x3  }
0x91: {  	v3 =	vand.u32 $0x7, v3;
	v4 =	vand.u32 $0xFFFFFFC0, v61  }
0x92: {  	v3 =	vor.u32 v3, v4  }
0x93: {  	v4 =	vperm.xlane v3, v0;
	_ =	sdelay $0x1  }
0x94: {  	v4 =	vadd.s32 v1, v4;
	_ =	sdelay $0x4  }
0x95: {  	[tilespmem:s8], [sflag:$0x1] =	stream.indirect_vreg.gather [hbm4b:s2+s3], $0x80, v4, vm0, $0xb8;
	[tilespmem:$0x11000] =	vst v63  }
0x96: {  	v3 =	vperm.xlane v3, v2  }
0x97: {  	[tilespmem:s9], [sflag:$0x1] =	stream.indirect_vreg.gather [hbm4b:s5+s3], $0x80, v4, vm0, $0xb8;
	[tilespmem:$0x11000] =	vst v63  }
0x98: {  	v3 =	vadd.s32 v1, v3  }
0x99: {  	[tilespmem:s10], [sflag:$0x1] =	stream.indirect_vreg.gather [hbm4b:s6+s3], $0x80, v4, vm0, $0xb8;
	[tilespmem:$0x11000] =	vst v63  }
0x9a: {  	_ = 	snop  }
0x9b: {  	[tilespmem:s11], [sflag:$0x1] =	stream.indirect_vreg.gather [hbm4b:s7+s3], $0x80, v4, vm0, $0xb8;
	[tilespmem:$0x11000] =	vst v63  }
0x9c: {  	_ = 	snop  }
0x9d: {  	[tilespmem:s13], [sflag:$0x1] =	stream.indirect_vreg.gather [hbm4b:s2+s3], $0x80, v3, vm0, $0xb8;
	[tilespmem:$0x11000] =	vst v63  }
0x9e: {  	_ = 	snop  }
0x9f: {  	[tilespmem:s14], [sflag:$0x1] =	stream.indirect_vreg.gather [hbm4b:s5+s3], $0x80, v3, vm0, $0xb8;
	[tilespmem:$0x11000] =	vst v63  }
0xa0: {  	_ = 	snop  }
0xa1: {  	[tilespmem:s15], [sflag:$0x1] =	stream.indirect_vreg.gather [hbm4b:s6+s3], $0x80, v3, vm0, $0xb8;
	[tilespmem:$0x11000] =	vst v63  }
0xa2: {  	_ = 	snop  }
0xa3: {  	[tilespmem:s16], [sflag:$0x1] =	stream.indirect_vreg.gather [hbm4b:s7+s3], $0x80, v3, vm0, $0xb8;
	[tilespmem:$0x11000] =	vst v63  }
0xa4: {  	_ =	swait.ge [sflag:s21], $0x8000  }
0xa5: {  	[sflag:s21] =	ssyncset.done $0x0  }
0xa6: {  	s25 =	sadd.s32 $0x1000, s25;
	s1 =	simm.s32 $0x9000;
	[sflag:s21] =	ssyncadd.s32 $0xFFFF8000  }
0xa7: {  	[hbm4b:s25+s3] =	stream.linear.scatter [tilespmem:s1], [sflag:$0x4], $0x8000, $0x38;
	[tilespmem:$0x11000] =	vst v63  }
0xa8: {  	_ =	swait.ge [sflag:s22], $0x8000  }
0xa9: {  	[sflag:s22] =	ssyncset.done $0x0  }
0xaa: {  	[sflag:s22] =	ssyncadd.s32 $0xFFFF8000  }
0xab: {  	v3 =	vld [tilespmem:s23+$0xFFFFFFF0];
	_ =	sdelay $0x4  }
0xac: {  	v62 =	vshll.u32 v3, $0x3  }
0xad: {  	v3 =	vand.u32 $0x7, v3;
	v4 =	vand.u32 $0xFFFFFFC0, v62  }
0xae: {  	v3 =	vor.u32 v3, v4  }
0xaf: {  	v4 =	vperm.xlane v3, v0;
	_ =	sdelay $0x1  }
0xb0: {  	v4 =	vadd.s32 v1, v4;
	_ =	sdelay $0x4  }
0xb1: {  	[tilespmem:s1], [sflag:$0x2] =	stream.indirect_vreg.gather [hbm4b:s2+s3], $0x80, v4, vm0, $0xb8;
	[tilespmem:$0x11000] =	vst v63  }
0xb2: {  	v3 =	vperm.xlane v3, v2  }
0xb3: {  	[tilespmem:s17], [sflag:$0x2] =	stream.indirect_vreg.gather [hbm4b:s5+s3], $0x80, v4, vm0, $0xb8;
	[tilespmem:$0x11000] =	vst v63  }
0xb4: {  	v3 =	vadd.s32 v1, v3  }
0xb5: {  	[tilespmem:s18], [sflag:$0x2] =	stream.indirect_vreg.gather [hbm4b:s6+s3], $0x80, v4, vm0, $0xb8;
	[tilespmem:$0x11000] =	vst v63  }
0xb6: {  	_ = 	snop  }
0xb7: {  	[tilespmem:s12], [sflag:$0x2] =	stream.indirect_vreg.gather [hbm4b:s7+s3], $0x80, v4, vm0, $0xb8;
	[tilespmem:$0x11000] =	vst v63  }
0xb8: {  	_ = 	snop  }
0xb9: {  	[tilespmem:s26], [sflag:$0x2] =	stream.indirect_vreg.gather [hbm4b:s2+s3], $0x80, v3, vm0, $0xb8;
	[tilespmem:$0x11000] =	vst v63  }
0xba: {  	s25 =	simm.s32 $0xB800  }
0xbb: {  	[tilespmem:s25], [sflag:$0x2] =	stream.indirect_vreg.gather [hbm4b:s5+s3], $0x80, v3, vm0, $0xb8;
	[tilespmem:$0x11000] =	vst v63  }
0xbc: {  	s25 =	simm.s32 $0xC000  }
0xbd: {  	[tilespmem:s25], [sflag:$0x2] =	stream.indirect_vreg.gather [hbm4b:s6+s3], $0x80, v3, vm0, $0xb8;
	[tilespmem:$0x11000] =	vst v63  }
0xbe: {  	s25 =	simm.s32 $0xC800  }
0xbf: {  	[tilespmem:s25], [sflag:$0x2] =	stream.indirect_vreg.gather [hbm4b:s7+s3], $0x80, v3, vm0, $0xb8;
	[tilespmem:$0x11000] =	vst v63  }
0xc0: {  	v3 =	vld [tilespmem:s23+$0x0];
	_ =	sdelay $0x4  }
0xc1: {  	v63 =	vshll.u32 v3, $0x3  }
0xc2: {  	v3 =	vand.u32 $0x7, v3;
	v4 =	vand.u32 $0xFFFFFFC0, v63  }
0xc3: {  	v3 =	vor.u32 v3, v4  }
0xc4: {  	v4 =	vperm.xlane v3, v0;
	_ =	sdelay $0x1  }
0xc5: {  	v4 =	vadd.s32 v1, v4;
	_ =	sdelay $0x3  }
0xc6: {  	s25 =	simm.s32 $0xD000  }
0xc7: {  	[tilespmem:s25], [sflag:$0x2] =	stream.indirect_vreg.gather [hbm4b:s2+s3], $0x80, v4, vm0, $0xb8;
	[tilespmem:$0x11000] =	vst v63  }
0xc8: {  	v3 =	vperm.xlane v3, v2;
	s25 =	simm.s32 $0xD800  }
0xc9: {  	[tilespmem:s25], [sflag:$0x2] =	stream.indirect_vreg.gather [hbm4b:s5+s3], $0x80, v4, vm0, $0xb8;
	[tilespmem:$0x11000] =	vst v63  }
0xca: {  	v3 =	vadd.s32 v1, v3;
	s25 =	simm.s32 $0xE000  }
0xcb: {  	[tilespmem:s25], [sflag:$0x2] =	stream.indirect_vreg.gather [hbm4b:s6+s3], $0x80, v4, vm0, $0xb8;
	[tilespmem:$0x11000] =	vst v63  }
0xcc: {  	s25 =	simm.s32 $0xE800  }
0xcd: {  	[tilespmem:s25], [sflag:$0x2] =	stream.indirect_vreg.gather [hbm4b:s7+s3], $0x80, v4, vm0, $0xb8;
	[tilespmem:$0x11000] =	vst v63  }
0xce: {  	s25 =	simm.s32 $0xF000  }
0xcf: {  	[tilespmem:s25], [sflag:$0x2] =	stream.indirect_vreg.gather [hbm4b:s2+s3], $0x80, v3, vm0, $0xb8;
	[tilespmem:$0x11000] =	vst v63  }
0xd0: {  	p0 =	sne.s32 s24, $0x1C000;
	s25 =	simm.s32 $0xF800  }
0xd1: {  	[tilespmem:s25], [sflag:$0x2] =	stream.indirect_vreg.gather [hbm4b:s5+s3], $0x80, v3, vm0, $0xb8;
	[tilespmem:$0x11000] =	vst v63  }
.Ltmp0:
0xd2: {  	_ = 	snop;
	(pc) =	sbr.rel @p0 .LBB2_2-.Ltmp0, $4  }
0xd3: {  	s29 =	simm.s32 $0x1000;
	s25 =	simm.s32 $0x10000  }
0xd4: {  	[tilespmem:s25], [sflag:$0x2] =	stream.indirect_vreg.gather [hbm4b:s6+s3], $0x80, v3, vm0, $0xb8;
	[tilespmem:$0x11000] =	vst v63  }
0xd5: {  	s24 =	sadd.s32 $0x2000, s24;
	s30 =	simm.s32 $0x9000;
	s23 =	sadd.s32 $0x100, s23  }
0xd6: {  	[tilespmem:s0], [sflag:$0x2] =	stream.indirect_vreg.gather [hbm4b:s7+s3], $0x80, v3, vm0, $0xb8;
	[tilespmem:$0x11000] =	vst v63  }
0xd7: {  	_ =	swait.ge [sflag:s19], $0x8000  }
0xd8: {  	[sflag:s19] =	ssyncset.done $0x0  }
0xd9: {  	s23 =	rddreg [dreg:$0x6];
	[sflag:s19] =	ssyncadd.s32 $0xFFFF8000  }
0xda: {  	[hbm4b:s23+s3] =	stream.linear.scatter [tilespmem:s29], [sflag:$0x3], $0x8000, $0x38;
	[tilespmem:$0x11000] =	vst v63  }
0xdb: {  	_ =	swait.ge [sflag:s20], $0x8000  }
0xdc: {  	[sflag:s20] =	ssyncset.done $0x0  }
0xdd: {  	[sflag:s20] =	ssyncadd.s32 $0xFFFF8000  }
0xde: {  	_ =	swait.ge [sflag:s21], $0x8000  }
0xdf: {  	[sflag:s21] =	ssyncset.done $0x0  }
0xe0: {  	s24 =	simm.s32 $0x1800;
	s25 =	rddreg [dreg:$0x7];
	[sflag:s21] =	ssyncadd.s32 $0xFFFF8000  }
0xe1: {  	[hbm4b:s25+s3] =	stream.linear.scatter [tilespmem:s30], [sflag:$0x4], $0x8000, $0x38;
	[tilespmem:$0x11000] =	vst v63  }
0xe2: {  	s28 =	simm.s32 $0x3000;
	s1 =	simm.s32 $0x3800;
	_ =	swait.ge [sflag:s22], $0x8000  }
0xe3: {  	s4 =	simm.s32 $0x4800;
	s8 =	simm.s32 $0x5000;
	s0 =	rddreg [dreg:$0x9]  }
0xe4: {  	s9 =	simm.s32 $0x5800;
	s26 =	rddreg [dreg:$0x8];
	s0 =	sadd.s32 $0x1, s0  }
0xe5: {  	s10 =	simm.s32 $0x6000;
	s11 =	simm.s32 $0x6800;
	p0 =	sne.s32 s0, s26  }
.Ltmp1:
0xe6: {  	s13 =	simm.s32 $0x7000;
	s14 =	simm.s32 $0x7800;
	(pc) =	sbr.rel @p0 .LBB2_1-.Ltmp1, $4  }
0xe7: {  	s15 =	simm.s32 $0x8000;
	s16 =	simm.s32 $0x8800;
	s17 =	simm.s32 $0x9800  }
0xe8: {  	s18 =	simm.s32 $0xA000;
	s12 =	simm.s32 $0xA800;
	[sflag:s22] =	ssyncset.done $0x0  }
0xe9: {  	s31 =	simm.s32 $0xB000;
	s25 =	simm.s32 $0x2000;
	[sflag:s22] =	ssyncadd.s32 $0xFFFF8000  }
0xea: {  	[dreg:$0x9] =	wrdreg s0;
	s26 =	simm.s32 $0x2800;
	s0 =	simm.s32 $0x4000  }
0xeb: {  	_ =	sfence.sel $0x180000  }
0xec: {  	[bflag:$0x0] =	sbarrier.arrive $0xFFFF  }
0xed: {  	_ =	strace $0x90000047  }
0xee: {  	s0 =	stileid.u32;
	[bflag:$0x2] =	sbarrier.arrive $0xFFFF  }
0xef: {  	p0 =	sne.s32 s0, $0x0;
	s0 =	rddreg [dreg:$0x3]  }
0xf0: {  	s0 =	sadd.s32 @!p0 $0x100000, s0  }
0xf1: {  	[sflag:s0] =	ssyncadd.tile.s32 @!p0 $0x1;
	_ =	shalt  }
.Lfunc_end2:
_tile_overlayer_lowered:
.L_overlay_start_2:
0xf2: {  	(tag) =	ssettag $0x2  }
0xf3: {  	s0 =	rddreg [dreg:$0x0];
	s2 =	stileid.u32  }
0xf4: {  	s1 =	rddreg [dreg:$0x1];
	p0 =	sne.s32 s2, $0x0  }
0xf5: {  	s3 =	rddreg [dreg:$0x2];
	[bflag:$0x3] =	sbarrier.arrive $0xFFFF;
	s2 =	simm.s32 @!p0 $0x1C05  }
0xf6: {  	[timem:s3], [sflag:s2] =	dma.local @!p0 [hbm:s0], s1  }
0xf7: {  	s0 =	simm.s32 @!p0 $0x5  }
0xf8: {  	_ =	swait.ge @!p0 [sflag:s0], s1  }
0xf9: {  	s1 =	ssub.s32 @!p0 $0x0, s1;
	[sflag:s0] =	ssyncset.done @!p0 $0x0  }
0xfa: {  	[sflag:s0] =	ssyncadd.s32 @!p0 s1  }
0xfb: {  	[bflag:$0x3] =	sbarrier.arrive $0xFFFF  }
0xfc: {  	_ =	shalt  }

</sc_bundles>
